<compile_context>
chip_gen: v7x
topology: tpu7x:2x2x1
jax: 0.10.2.dev20260603
libtpu: 0.0.44.dev20260713+nightly
codegen_flags: <defaults>
</compile_context>

<pallas_src>
import functools

import jax
import jax.numpy as jnp
from jax import lax
from jax.experimental import pallas as pl
from jax.experimental.pallas import tpu as pltpu
from jax.experimental.pallas import tpu_sc as plsc

B, C, H, W = 8, 96, 112, 112
KS, ST = 2, 2
HOUT, WOUT = (H - 1) * ST + KS, (W - 1) * ST + KS
ROWS = B * C
IN_ROW = H * W
OUT_ROW = HOUT * WOUT
NWORKERS = 32
ROWS_PER_W = ROWS // NWORKERS
NPAIRS = ROWS_PER_W // 2
NGROUPS = IN_ROW // 16
NZGROUPS = OUT_ROW // 16

_mesh = plsc.VectorSubcoreMesh(core_axis_name="c", subcore_axis_name="s")


@functools.partial(
    pl.kernel,
    mesh=_mesh,
    compiler_params=pltpu.CompilerParams(needs_layout_passes=False),
    out_type=jax.ShapeDtypeStruct((ROWS, OUT_ROW), jnp.float32),
    scratch_types=[
        pltpu.VMEM((IN_ROW,), jnp.float32),
        pltpu.VMEM((IN_ROW,), jnp.int32),
        pltpu.VMEM((OUT_ROW,), jnp.float32),
        pltpu.VMEM((OUT_ROW,), jnp.float32),
        pltpu.SemaphoreType.DMA,
        pltpu.SemaphoreType.DMA,
    ],
)
def _scatter_sorted(idx_hbm, x_hbm, out_hbm, xbuf, ibuf, obuf0, obuf1,
                    sem0, sem1):
    wid = lax.axis_index("s") * 2 + lax.axis_index("c")
    base = wid * ROWS_PER_W
    lane = lax.iota(jnp.int32, 16)
    zeros16 = jnp.zeros((16,), jnp.float32)
    shift_up = jnp.minimum(lane + 1, 15)
    gather_dnums = lax.GatherDimensionNumbers(
        offset_dims=(), collapsed_slice_dims=(0,), start_index_map=(0,))
    lane15 = lane == 15

    def shift_lanes_up(v):
        return lax.gather(v, shift_up[:, None], gather_dnums, (1,),
                          mode=lax.GatherScatterMode.PROMISE_IN_BOUNDS)

    def do_row(row, obuf, sem, first):
        pltpu.sync_copy(x_hbm.at[row], xbuf)
        pltpu.sync_copy(idx_hbm.at[row], ibuf)

        @pl.when(jnp.logical_not(first))
        def _wait_prev():
            pltpu.make_async_copy(obuf, out_hbm.at[row], sem).wait()

        def zero_grp(z, _):
            obuf[pl.ds(z * 16, 16)] = zeros16
            return _

        lax.fori_loop(0, NZGROUPS, zero_grp, 0, unroll=8)

        def scatter_grp(g, _):
            idxv = ibuf[pl.ds(g * 16, 16)]
            xv = xbuf[pl.ds(g * 16, 16)]
            nxt = shift_lanes_up(idxv)
            keep = jnp.logical_or(idxv != nxt, lane15)
            plsc.store_scatter(obuf, [idxv], xv, mask=keep)
            return _

        lax.fori_loop(0, NGROUPS, scatter_grp, 0)
        pltpu.async_copy(obuf, out_hbm.at[row], sem)

    def do_pair(k, _):
        do_row(base + 2 * k, obuf0, sem0, k == 0)
        do_row(base + 2 * k + 1, obuf1, sem1, k == 0)
        return _

    lax.fori_loop(0, NPAIRS, do_pair, 0)
    pltpu.make_async_copy(obuf0, out_hbm.at[base], sem0).wait()
    pltpu.make_async_copy(obuf1, out_hbm.at[base], sem1).wait()


def kernel(x, indices):
    xf = x.reshape(ROWS * IN_ROW)
    idxf = indices.astype(jnp.int32).reshape(ROWS, IN_ROW)
    row = jax.lax.broadcasted_iota(jnp.int32, (ROWS, IN_ROW), 0)
    idxw = jnp.where(idxf < 0, idxf + OUT_ROW, idxf)
    valid = (idxw >= 0) & (idxw < OUT_ROW) & (row >= 0) & (row < ROWS)
    key = jnp.where(valid, row * OUT_ROW + idxw, -1).reshape(ROWS * IN_ROW)
    skey, sval = lax.sort((key, xf), dimension=0, is_stable=False,
                          num_keys=1)
    sidx = (skey.reshape(ROWS, IN_ROW)
            - jnp.arange(ROWS, dtype=jnp.int32)[:, None] * OUT_ROW)
    out = _scatter_sorted(sidx, sval.reshape(ROWS, IN_ROW))
    return out.reshape(B, C, HOUT, WOUT)

# --- scband reference (transcript-rebuilt; emitter-appended) ---
"""Pipeline reference for scband-max-unpool2d-a-2851858284890 (READ-ONLY COPY).

The authoritative reference and input builder live on the scoring server;
editing this copy changes nothing except your own understanding.
"""

import jax, jax.numpy as jnp
import numpy as np

B, C, H, W = 8, 96, 112, 112
KS, ST = 2, 2
HOUT, WOUT = (H - 1) * ST + KS, (W - 1) * ST + KS


def setup_inputs(seed: int = 0) -> dict:
    key = jax.random.key(seed)
    k1, k2 = jax.random.split(key)
    x = jax.random.normal(k1, (B, C, H, W), dtype=jnp.float32)
    indices = jax.random.randint(k2, (B, C, H, W), 0, HOUT * WOUT, dtype=jnp.int64)
    return {"x": x, "indices": indices}


def reference(x, indices):
    # Faithful MaxUnpool2d: scatter x values into a zero-initialized output
    # of spatial size (HOUT, WOUT) at positions given by `indices`, which
    # index into the flattened output plane (per batch, per channel).
    b, c, h, w = x.shape
    hout = (h - 1) * ST + KS
    wout = (w - 1) * ST + KS
    xf = x.reshape(b * c, h * w)
    idxf = indices.reshape(b * c, h * w)
    out = jnp.zeros((b * c, hout * wout), dtype=x.dtype)
    row = jnp.arange(b * c)[:, None]
    out = out.at[row, idxf].set(xf)
    return out.reshape(b, c, hout, wout)

if __name__ == "__main__":
    import jax
    _d = setup_inputs()
    print(jax.jit(kernel)(*tuple(_d.values())))

</pallas_src>

<mosaic_0001>
#map = affine_map<(d0, d1) -> (0, 0)>
module attributes {stable_mosaic.version = 14 : i64} {
  func.func @_scatter_sorted(%arg0: i32, %arg1: i32, %arg2: memref<768x12544xi32, #tpu.memory_space<hbm>>, %arg3: memref<768x12544xf32, #tpu.memory_space<hbm>>, %arg4: memref<768x50176xf32, #tpu.memory_space<hbm>>, %arg5: memref<12544xf32, #tpu.memory_space<vmem>>, %arg6: memref<12544xi32, #tpu.memory_space<vmem>>, %arg7: memref<50176xf32, #tpu.memory_space<vmem>>, %arg8: memref<50176xf32, #tpu.memory_space<vmem>>, %arg9: memref<!tpu.dma_semaphore, #tpu.memory_space<semaphore_mem>>, %arg10: memref<!tpu.dma_semaphore, #tpu.memory_space<semaphore_mem>>) attributes {dimension_semantics = [#tpu.dimension_semantics<core_parallel>, #tpu.dimension_semantics<subcore_parallel>], iteration_bounds = array<i64: 2, 16>, scalar_prefetch = 0 : i64, scratch_operands = 6 : i64, tpu.core_type = #tpu.core_type<sc_vector_subcore>, window_params = [{transform_indices = #map}, {transform_indices = #map}, {transform_indices = #map}]} {
    %mul3A = arith.constant 2 : i32
    %mul3A_0 = arith.muli %arg1, %mul3A : i32
    %add3A = arith.addi %mul3A_0, %arg0 : i32
    %mul3A_1 = arith.constant 24 : i32
    %mul3A_2 = arith.muli %add3A, %mul3A_1 : i32
    %iota3A = tpu.iota {dimensions = array<i32: 0>} : vector<16xi32>
    %broadcast_in_dim3A = arith.constant 0.000000e+00 : f32
    %broadcast_in_dim3A_3 = vector.broadcast %broadcast_in_dim3A : f32 to vector<16xf32>
    %add3A_4 = arith.constant 1 : i32
    %add3A_5 = vector.broadcast %add3A_4 : i32 to vector<16xi32>
    %add3A_6 = arith.addi %iota3A, %add3A_5 : vector<16xi32>
    %min3A = arith.constant 15 : i32
    %min3A_7 = vector.broadcast %min3A : i32 to vector<16xi32>
    %min3A_8 = arith.minsi %add3A_6, %min3A_7 : vector<16xi32>
    %eq3A = arith.constant 15 : i32
    %eq3A_9 = vector.broadcast %eq3A : i32 to vector<16xi32>
    %eq3A_10 = arith.cmpi eq, %iota3A, %eq3A_9 : vector<16xi32>
    %scan3A = arith.constant 0 : i32
    %scan3A_11 = arith.constant 0 : i32
    %scan3A_12 = arith.constant 12 : i32
    %scan3A_13 = arith.addi %scan3A_11, %scan3A_12 : i32
    %scan3A_14 = arith.constant 1 : i32
    scf.for %scan3A_27 = %scan3A_11 to %scan3A_13 step %scan3A_14  : i32 {
      %mul3A_28 = arith.constant 2 : i32
      %mul3A_29 = arith.muli %mul3A_28, %scan3A_27 : i32
      %add3A_30 = arith.addi %mul3A_2, %mul3A_29 : i32
      %eq3A_31 = arith.constant 0 : i32
      %eq3A_32 = arith.cmpi eq, %scan3A_27, %eq3A_31 : i32
      "tpu.region"() ({
        %run_scoped3A = tpu.sem_alloc : memref<!tpu.dma_semaphore, #tpu.memory_space<semaphore_mem>>
        %dma_start3A_82 = arith.constant 0 : i32
        %dma_start3A_83 = tpu.memref_slice %arg3[%add3A_30, %dma_start3A_82] : memref<768x12544xf32, #tpu.memory_space<hbm>> -> memref<1x12544xf32, #tpu.memory_space<hbm>>
        %dma_start3A_84 = tpu.memref_squeeze %dma_start3A_83 : memref<1x12544xf32, #tpu.memory_space<hbm>> -> memref<12544xf32, #tpu.memory_space<hbm>>
        %dma_start3A_85 = arith.constant 0 : i32
        %dma_start3A_86 = tpu.memref_slice %arg3[%add3A_30, %dma_start3A_85] : memref<768x12544xf32, #tpu.memory_space<hbm>> -> memref<1x12544xf32, #tpu.memory_space<hbm>>
        %dma_start3A_87 = tpu.memref_squeeze %dma_start3A_86 : memref<1x12544xf32, #tpu.memory_space<hbm>> -> memref<12544xf32, #tpu.memory_space<hbm>>
        tpu.enqueue_dma source(%dma_start3A_87 : memref<12544xf32, #tpu.memory_space<hbm>>) target(%arg5 : memref<12544xf32, #tpu.memory_space<vmem>>) target_semaphore(%run_scoped3A : memref<!tpu.dma_semaphore, #tpu.memory_space<semaphore_mem>>)
        %dma_wait3A_88 = arith.constant 0 : i32
        %dma_wait3A_89 = tpu.memref_slice %arg3[%add3A_30, %dma_wait3A_88] : memref<768x12544xf32, #tpu.memory_space<hbm>> -> memref<1x12544xf32, #tpu.memory_space<hbm>>
        %dma_wait3A_90 = tpu.memref_squeeze %dma_wait3A_89 : memref<1x12544xf32, #tpu.memory_space<hbm>> -> memref<12544xf32, #tpu.memory_space<hbm>>
        %dma_wait3A_91 = arith.constant 0 : i32
        %dma_wait3A_92 = tpu.memref_slice %arg3[%add3A_30, %dma_wait3A_91] : memref<768x12544xf32, #tpu.memory_space<hbm>> -> memref<1x12544xf32, #tpu.memory_space<hbm>>
        %dma_wait3A_93 = tpu.memref_squeeze %dma_wait3A_92 : memref<1x12544xf32, #tpu.memory_space<hbm>> -> memref<12544xf32, #tpu.memory_space<hbm>>
        tpu.wait_dma2 semaphore(%run_scoped3A : memref<!tpu.dma_semaphore, #tpu.memory_space<semaphore_mem>>) src(%dma_wait3A_93 : memref<12544xf32, #tpu.memory_space<hbm>>) dst(%arg5 : memref<12544xf32, #tpu.memory_space<vmem>>)
        tpu.yield
      }) : () -> ()
      "tpu.region"() ({
        %run_scoped3A = tpu.sem_alloc : memref<!tpu.dma_semaphore, #tpu.memory_space<semaphore_mem>>
        %dma_start3A_82 = arith.constant 0 : i32
        %dma_start3A_83 = tpu.memref_slice %arg2[%add3A_30, %dma_start3A_82] : memref<768x12544xi32, #tpu.memory_space<hbm>> -> memref<1x12544xi32, #tpu.memory_space<hbm>>
        %dma_start3A_84 = tpu.memref_squeeze %dma_start3A_83 : memref<1x12544xi32, #tpu.memory_space<hbm>> -> memref<12544xi32, #tpu.memory_space<hbm>>
        %dma_start3A_85 = arith.constant 0 : i32
        %dma_start3A_86 = tpu.memref_slice %arg2[%add3A_30, %dma_start3A_85] : memref<768x12544xi32, #tpu.memory_space<hbm>> -> memref<1x12544xi32, #tpu.memory_space<hbm>>
        %dma_start3A_87 = tpu.memref_squeeze %dma_start3A_86 : memref<1x12544xi32, #tpu.memory_space<hbm>> -> memref<12544xi32, #tpu.memory_space<hbm>>
        tpu.enqueue_dma source(%dma_start3A_87 : memref<12544xi32, #tpu.memory_space<hbm>>) target(%arg6 : memref<12544xi32, #tpu.memory_space<vmem>>) target_semaphore(%run_scoped3A : memref<!tpu.dma_semaphore, #tpu.memory_space<semaphore_mem>>)
        %dma_wait3A_88 = arith.constant 0 : i32
        %dma_wait3A_89 = tpu.memref_slice %arg2[%add3A_30, %dma_wait3A_88] : memref<768x12544xi32, #tpu.memory_space<hbm>> -> memref<1x12544xi32, #tpu.memory_space<hbm>>
        %dma_wait3A_90 = tpu.memref_squeeze %dma_wait3A_89 : memref<1x12544xi32, #tpu.memory_space<hbm>> -> memref<12544xi32, #tpu.memory_space<hbm>>
        %dma_wait3A_91 = arith.constant 0 : i32
        %dma_wait3A_92 = tpu.memref_slice %arg2[%add3A_30, %dma_wait3A_91] : memref<768x12544xi32, #tpu.memory_space<hbm>> -> memref<1x12544xi32, #tpu.memory_space<hbm>>
        %dma_wait3A_93 = tpu.memref_squeeze %dma_wait3A_92 : memref<1x12544xi32, #tpu.memory_space<hbm>> -> memref<12544xi32, #tpu.memory_space<hbm>>
        tpu.wait_dma2 semaphore(%run_scoped3A : memref<!tpu.dma_semaphore, #tpu.memory_space<semaphore_mem>>) src(%dma_wait3A_93 : memref<12544xi32, #tpu.memory_space<hbm>>) dst(%arg6 : memref<12544xi32, #tpu.memory_space<vmem>>)
        tpu.yield
      }) : () -> ()
      %not3A = arith.constant true
      %not3A_33 = arith.xori %eq3A_32, %not3A : i1
      %convert_element_type3A = arith.extui %not3A_33 : i1 to i32
      %cond3A = arith.constant 0 : i32
      %cond3A_34 = arith.cmpi ne, %convert_element_type3A, %cond3A : i32
      scf.if %cond3A_34 {
        %dma_wait3A_82 = arith.constant 0 : i32
        %dma_wait3A_83 = tpu.memref_slice %arg4[%add3A_30, %dma_wait3A_82] : memref<768x50176xf32, #tpu.memory_space<hbm>> -> memref<1x50176xf32, #tpu.memory_space<hbm>>
        %dma_wait3A_84 = tpu.memref_squeeze %dma_wait3A_83 : memref<1x50176xf32, #tpu.memory_space<hbm>> -> memref<50176xf32, #tpu.memory_space<hbm>>
        %dma_wait3A_85 = arith.constant 0 : i32
        %dma_wait3A_86 = tpu.memref_slice %arg4[%add3A_30, %dma_wait3A_85] : memref<768x50176xf32, #tpu.memory_space<hbm>> -> memref<1x50176xf32, #tpu.memory_space<hbm>>
        %dma_wait3A_87 = tpu.memref_squeeze %dma_wait3A_86 : memref<1x50176xf32, #tpu.memory_space<hbm>> -> memref<50176xf32, #tpu.memory_space<hbm>>
        tpu.wait_dma2 semaphore(%arg9 : memref<!tpu.dma_semaphore, #tpu.memory_space<semaphore_mem>>) src(%arg7 : memref<50176xf32, #tpu.memory_space<vmem>>) dst(%dma_wait3A_87 : memref<50176xf32, #tpu.memory_space<hbm>>)
      } else {
      }
      %scan3A_35 = arith.constant 0 : i32
      %scan3A_36 = arith.constant 0 : i32
      %scan3A_37 = arith.constant 3136 : i32
      %scan3A_38 = arith.addi %scan3A_36, %scan3A_37 : i32
      %scan3A_39 = arith.constant 8 : i32
      scf.for %scan3A_82 = %scan3A_36 to %scan3A_38 step %scan3A_39  : i32 {
        %mul3A_83 = arith.constant 16 : i32
        %mul3A_84 = arith.muli %scan3A_82, %mul3A_83 : i32
        %swap3A = arith.index_cast %mul3A_84 : i32 to index
        %swap3A_85 = tpu.vector_load %arg7[%swap3A] {strides = array<i32>} : memref<50176xf32, #tpu.memory_space<vmem>>, vector<16xf32>,
        tpu.vector_store %arg7[%swap3A], %broadcast_in_dim3A_3 {strides = array<i32>} : memref<50176xf32, #tpu.memory_space<vmem>>, vector<16xf32>,
        %scan3A_86 = arith.constant 1 : i32
        %scan3A_87 = arith.addi %scan3A_82, %scan3A_86 : i32
        %mul3A_88 = arith.constant 16 : i32
        %mul3A_89 = arith.muli %scan3A_87, %mul3A_88 : i32
        %swap3A_90 = arith.index_cast %mul3A_89 : i32 to index
        %swap3A_91 = tpu.vector_load %arg7[%swap3A_90] {strides = array<i32>} : memref<50176xf32, #tpu.memory_space<vmem>>, vector<16xf32>,
        tpu.vector_store %arg7[%swap3A_90], %broadcast_in_dim3A_3 {strides = array<i32>} : memref<50176xf32, #tpu.memory_space<vmem>>, vector<16xf32>,
        %scan3A_92 = arith.constant 2 : i32
        %scan3A_93 = arith.addi %scan3A_82, %scan3A_92 : i32
        %mul3A_94 = arith.constant 16 : i32
        %mul3A_95 = arith.muli %scan3A_93, %mul3A_94 : i32
        %swap3A_96 = arith.index_cast %mul3A_95 : i32 to index
        %swap3A_97 = tpu.vector_load %arg7[%swap3A_96] {strides = array<i32>} : memref<50176xf32, #tpu.memory_space<vmem>>, vector<16xf32>,
        tpu.vector_store %arg7[%swap3A_96], %broadcast_in_dim3A_3 {strides = array<i32>} : memref<50176xf32, #tpu.memory_space<vmem>>, vector<16xf32>,
        %scan3A_98 = arith.constant 3 : i32
        %scan3A_99 = arith.addi %scan3A_82, %scan3A_98 : i32
        %mul3A_100 = arith.constant 16 : i32
        %mul3A_101 = arith.muli %scan3A_99, %mul3A_100 : i32
        %swap3A_102 = arith.index_cast %mul3A_101 : i32 to index
        %swap3A_103 = tpu.vector_load %arg7[%swap3A_102] {strides = array<i32>} : memref<50176xf32, #tpu.memory_space<vmem>>, vector<16xf32>,
        tpu.vector_store %arg7[%swap3A_102], %broadcast_in_dim3A_3 {strides = array<i32>} : memref<50176xf32, #tpu.memory_space<vmem>>, vector<16xf32>,
        %scan3A_104 = arith.constant 4 : i32
        %scan3A_105 = arith.addi %scan3A_82, %scan3A_104 : i32
        %mul3A_106 = arith.constant 16 : i32
        %mul3A_107 = arith.muli %scan3A_105, %mul3A_106 : i32
        %swap3A_108 = arith.index_cast %mul3A_107 : i32 to index
        %swap3A_109 = tpu.vector_load %arg7[%swap3A_108] {strides = array<i32>} : memref<50176xf32, #tpu.memory_space<vmem>>, vector<16xf32>,
        tpu.vector_store %arg7[%swap3A_108], %broadcast_in_dim3A_3 {strides = array<i32>} : memref<50176xf32, #tpu.memory_space<vmem>>, vector<16xf32>,
        %scan3A_110 = arith.constant 5 : i32
        %scan3A_111 = arith.addi %scan3A_82, %scan3A_110 : i32
        %mul3A_112 = arith.constant 16 : i32
        %mul3A_113 = arith.muli %scan3A_111, %mul3A_112 : i32
        %swap3A_114 = arith.index_cast %mul3A_113 : i32 to index
        %swap3A_115 = tpu.vector_load %arg7[%swap3A_114] {strides = array<i32>} : memref<50176xf32, #tpu.memory_space<vmem>>, vector<16xf32>,
        tpu.vector_store %arg7[%swap3A_114], %broadcast_in_dim3A_3 {strides = array<i32>} : memref<50176xf32, #tpu.memory_space<vmem>>, vector<16xf32>,
        %scan3A_116 = arith.constant 6 : i32
        %scan3A_117 = arith.addi %scan3A_82, %scan3A_116 : i32
        %mul3A_118 = arith.constant 16 : i32
        %mul3A_119 = arith.muli %scan3A_117, %mul3A_118 : i32
        %swap3A_120 = arith.index_cast %mul3A_119 : i32 to index
        %swap3A_121 = tpu.vector_load %arg7[%swap3A_120] {strides = array<i32>} : memref<50176xf32, #tpu.memory_space<vmem>>, vector<16xf32>,
        tpu.vector_store %arg7[%swap3A_120], %broadcast_in_dim3A_3 {strides = array<i32>} : memref<50176xf32, #tpu.memory_space<vmem>>, vector<16xf32>,
        %scan3A_122 = arith.constant 7 : i32
        %scan3A_123 = arith.addi %scan3A_82, %scan3A_122 : i32
        %mul3A_124 = arith.constant 16 : i32
        %mul3A_125 = arith.muli %scan3A_123, %mul3A_124 : i32
        %swap3A_126 = arith.index_cast %mul3A_125 : i32 to index
        %swap3A_127 = tpu.vector_load %arg7[%swap3A_126] {strides = array<i32>} : memref<50176xf32, #tpu.memory_space<vmem>>, vector<16xf32>,
        tpu.vector_store %arg7[%swap3A_126], %broadcast_in_dim3A_3 {strides = array<i32>} : memref<50176xf32, #tpu.memory_space<vmem>>, vector<16xf32>,
      }
      %scan3A_40 = arith.constant 3136 : i32
      %scan3A_41 = arith.constant 0 : i32
      %scan3A_42 = arith.constant 0 : i32
      %scan3A_43 = arith.constant 784 : i32
      %scan3A_44 = arith.addi %scan3A_42, %scan3A_43 : i32
      %scan3A_45 = arith.constant 1 : i32
      scf.for %scan3A_82 = %scan3A_42 to %scan3A_44 step %scan3A_45  : i32 {
        %mul3A_83 = arith.constant 16 : i32
        %mul3A_84 = arith.muli %scan3A_82, %mul3A_83 : i32
        %get3A = arith.index_cast %mul3A_84 : i32 to index
        %get3A_85 = tpu.vector_load %arg6[%get3A] {strides = array<i32>} : memref<12544xi32, #tpu.memory_space<vmem>>, vector<16xi32>,
        %mul3A_86 = arith.constant 16 : i32
        %mul3A_87 = arith.muli %scan3A_82, %mul3A_86 : i32
        %get3A_88 = arith.index_cast %mul3A_87 : i32 to index
        %get3A_89 = tpu.vector_load %arg5[%get3A_88] {strides = array<i32>} : memref<12544xf32, #tpu.memory_space<vmem>>, vector<16xf32>,
        %broadcast_in_dim3A_90 = vector.shape_cast %min3A_8 : vector<16xi32> to vector<16x1xi32>
        %gather3A = vector.shape_cast %broadcast_in_dim3A_90 : vector<16x1xi32> to vector<16xi32>
        %gather3A_91 = tpu.dynamic_gather %get3A_85[%gather3A] in [0] : vector<16xi32>, vector<16xi32> -> vector<16xi32>
        %ne3A = arith.cmpi ne, %get3A_85, %gather3A_91 : vector<16xi32>
        %or3A = arith.ori %ne3A, %eq3A_10 : vector<16xi1>
        tpu.vector_store_idx %arg7[%get3A_85], %get3A_89 masked %or3A : memref<50176xf32, #tpu.memory_space<vmem>>[vector<16xi32>], vector<16xf32>, vector<16xi1>
      }
      %scan3A_46 = arith.constant 784 : i32
      %dma_start3A = arith.constant 0 : i32
      %dma_start3A_47 = tpu.memref_slice %arg4[%add3A_30, %dma_start3A] : memref<768x50176xf32, #tpu.memory_space<hbm>> -> memref<1x50176xf32, #tpu.memory_space<hbm>>
      %dma_start3A_48 = tpu.memref_squeeze %dma_start3A_47 : memref<1x50176xf32, #tpu.memory_space<hbm>> -> memref<50176xf32, #tpu.memory_space<hbm>>
      %dma_start3A_49 = arith.constant 0 : i32
      %dma_start3A_50 = tpu.memref_slice %arg4[%add3A_30, %dma_start3A_49] : memref<768x50176xf32, #tpu.memory_space<hbm>> -> memref<1x50176xf32, #tpu.memory_space<hbm>>
      %dma_start3A_51 = tpu.memref_squeeze %dma_start3A_50 : memref<1x50176xf32, #tpu.memory_space<hbm>> -> memref<50176xf32, #tpu.memory_space<hbm>>
      tpu.enqueue_dma source(%arg7 : memref<50176xf32, #tpu.memory_space<vmem>>) target(%dma_start3A_51 : memref<50176xf32, #tpu.memory_space<hbm>>) target_semaphore(%arg9 : memref<!tpu.dma_semaphore, #tpu.memory_space<semaphore_mem>>)
      %mul3A_52 = arith.constant 2 : i32
      %mul3A_53 = arith.muli %mul3A_52, %scan3A_27 : i32
      %add3A_54 = arith.addi %mul3A_2, %mul3A_53 : i32
      %add3A_55 = arith.constant 1 : i32
      %add3A_56 = arith.addi %add3A_54, %add3A_55 : i32
      %eq3A_57 = arith.constant 0 : i32
      %eq3A_58 = arith.cmpi eq, %scan3A_27, %eq3A_57 : i32
      "tpu.region"() ({
        %run_scoped3A = tpu.sem_alloc : memref<!tpu.dma_semaphore, #tpu.memory_space<semaphore_mem>>
        %dma_start3A_82 = arith.constant 0 : i32
        %dma_start3A_83 = tpu.memref_slice %arg3[%add3A_56, %dma_start3A_82] : memref<768x12544xf32, #tpu.memory_space<hbm>> -> memref<1x12544xf32, #tpu.memory_space<hbm>>
        %dma_start3A_84 = tpu.memref_squeeze %dma_start3A_83 : memref<1x12544xf32, #tpu.memory_space<hbm>> -> memref<12544xf32, #tpu.memory_space<hbm>>
        %dma_start3A_85 = arith.constant 0 : i32
        %dma_start3A_86 = tpu.memref_slice %arg3[%add3A_56, %dma_start3A_85] : memref<768x12544xf32, #tpu.memory_space<hbm>> -> memref<1x12544xf32, #tpu.memory_space<hbm>>
        %dma_start3A_87 = tpu.memref_squeeze %dma_start3A_86 : memref<1x12544xf32, #tpu.memory_space<hbm>> -> memref<12544xf32, #tpu.memory_space<hbm>>
        tpu.enqueue_dma source(%dma_start3A_87 : memref<12544xf32, #tpu.memory_space<hbm>>) target(%arg5 : memref<12544xf32, #tpu.memory_space<vmem>>) target_semaphore(%run_scoped3A : memref<!tpu.dma_semaphore, #tpu.memory_space<semaphore_mem>>)
        %dma_wait3A_88 = arith.constant 0 : i32
        %dma_wait3A_89 = tpu.memref_slice %arg3[%add3A_56, %dma_wait3A_88] : memref<768x12544xf32, #tpu.memory_space<hbm>> -> memref<1x12544xf32, #tpu.memory_space<hbm>>
        %dma_wait3A_90 = tpu.memref_squeeze %dma_wait3A_89 : memref<1x12544xf32, #tpu.memory_space<hbm>> -> memref<12544xf32, #tpu.memory_space<hbm>>
        %dma_wait3A_91 = arith.constant 0 : i32
        %dma_wait3A_92 = tpu.memref_slice %arg3[%add3A_56, %dma_wait3A_91] : memref<768x12544xf32, #tpu.memory_space<hbm>> -> memref<1x12544xf32, #tpu.memory_space<hbm>>
        %dma_wait3A_93 = tpu.memref_squeeze %dma_wait3A_92 : memref<1x12544xf32, #tpu.memory_space<hbm>> -> memref<12544xf32, #tpu.memory_space<hbm>>
        tpu.wait_dma2 semaphore(%run_scoped3A : memref<!tpu.dma_semaphore, #tpu.memory_space<semaphore_mem>>) src(%dma_wait3A_93 : memref<12544xf32, #tpu.memory_space<hbm>>) dst(%arg5 : memref<12544xf32, #tpu.memory_space<vmem>>)
        tpu.yield
      }) : () -> ()
      "tpu.region"() ({
        %run_scoped3A = tpu.sem_alloc : memref<!tpu.dma_semaphore, #tpu.memory_space<semaphore_mem>>
        %dma_start3A_82 = arith.constant 0 : i32
        %dma_start3A_83 = tpu.memref_slice %arg2[%add3A_56, %dma_start3A_82] : memref<768x12544xi32, #tpu.memory_space<hbm>> -> memref<1x12544xi32, #tpu.memory_space<hbm>>
        %dma_start3A_84 = tpu.memref_squeeze %dma_start3A_83 : memref<1x12544xi32, #tpu.memory_space<hbm>> -> memref<12544xi32, #tpu.memory_space<hbm>>
        %dma_start3A_85 = arith.constant 0 : i32
        %dma_start3A_86 = tpu.memref_slice %arg2[%add3A_56, %dma_start3A_85] : memref<768x12544xi32, #tpu.memory_space<hbm>> -> memref<1x12544xi32, #tpu.memory_space<hbm>>
        %dma_start3A_87 = tpu.memref_squeeze %dma_start3A_86 : memref<1x12544xi32, #tpu.memory_space<hbm>> -> memref<12544xi32, #tpu.memory_space<hbm>>
        tpu.enqueue_dma source(%dma_start3A_87 : memref<12544xi32, #tpu.memory_space<hbm>>) target(%arg6 : memref<12544xi32, #tpu.memory_space<vmem>>) target_semaphore(%run_scoped3A : memref<!tpu.dma_semaphore, #tpu.memory_space<semaphore_mem>>)
        %dma_wait3A_88 = arith.constant 0 : i32
        %dma_wait3A_89 = tpu.memref_slice %arg2[%add3A_56, %dma_wait3A_88] : memref<768x12544xi32, #tpu.memory_space<hbm>> -> memref<1x12544xi32, #tpu.memory_space<hbm>>
        %dma_wait3A_90 = tpu.memref_squeeze %dma_wait3A_89 : memref<1x12544xi32, #tpu.memory_space<hbm>> -> memref<12544xi32, #tpu.memory_space<hbm>>
        %dma_wait3A_91 = arith.constant 0 : i32
        %dma_wait3A_92 = tpu.memref_slice %arg2[%add3A_56, %dma_wait3A_91] : memref<768x12544xi32, #tpu.memory_space<hbm>> -> memref<1x12544xi32, #tpu.memory_space<hbm>>
        %dma_wait3A_93 = tpu.memref_squeeze %dma_wait3A_92 : memref<1x12544xi32, #tpu.memory_space<hbm>> -> memref<12544xi32, #tpu.memory_space<hbm>>
        tpu.wait_dma2 semaphore(%run_scoped3A : memref<!tpu.dma_semaphore, #tpu.memory_space<semaphore_mem>>) src(%dma_wait3A_93 : memref<12544xi32, #tpu.memory_space<hbm>>) dst(%arg6 : memref<12544xi32, #tpu.memory_space<vmem>>)
        tpu.yield
      }) : () -> ()
      %not3A_59 = arith.constant true
      %not3A_60 = arith.xori %eq3A_58, %not3A_59 : i1
      %convert_element_type3A_61 = arith.extui %not3A_60 : i1 to i32
      %cond3A_62 = arith.constant 0 : i32
      %cond3A_63 = arith.cmpi ne, %convert_element_type3A_61, %cond3A_62 : i32
      scf.if %cond3A_63 {
        %dma_wait3A_82 = arith.constant 0 : i32
        %dma_wait3A_83 = tpu.memref_slice %arg4[%add3A_56, %dma_wait3A_82] : memref<768x50176xf32, #tpu.memory_space<hbm>> -> memref<1x50176xf32, #tpu.memory_space<hbm>>
        %dma_wait3A_84 = tpu.memref_squeeze %dma_wait3A_83 : memref<1x50176xf32, #tpu.memory_space<hbm>> -> memref<50176xf32, #tpu.memory_space<hbm>>
        %dma_wait3A_85 = arith.constant 0 : i32
        %dma_wait3A_86 = tpu.memref_slice %arg4[%add3A_56, %dma_wait3A_85] : memref<768x50176xf32, #tpu.memory_space<hbm>> -> memref<1x50176xf32, #tpu.memory_space<hbm>>
        %dma_wait3A_87 = tpu.memref_squeeze %dma_wait3A_86 : memref<1x50176xf32, #tpu.memory_space<hbm>> -> memref<50176xf32, #tpu.memory_space<hbm>>
        tpu.wait_dma2 semaphore(%arg10 : memref<!tpu.dma_semaphore, #tpu.memory_space<semaphore_mem>>) src(%arg8 : memref<50176xf32, #tpu.memory_space<vmem>>) dst(%dma_wait3A_87 : memref<50176xf32, #tpu.memory_space<hbm>>)
      } else {
      }
      %scan3A_64 = arith.constant 0 : i32
      %scan3A_65 = arith.constant 0 : i32
      %scan3A_66 = arith.constant 3136 : i32
      %scan3A_67 = arith.addi %scan3A_65, %scan3A_66 : i32
      %scan3A_68 = arith.constant 8 : i32
      scf.for %scan3A_82 = %scan3A_65 to %scan3A_67 step %scan3A_68  : i32 {
        %mul3A_83 = arith.constant 16 : i32
        %mul3A_84 = arith.muli %scan3A_82, %mul3A_83 : i32
        %swap3A = arith.index_cast %mul3A_84 : i32 to index
        %swap3A_85 = tpu.vector_load %arg8[%swap3A] {strides = array<i32>} : memref<50176xf32, #tpu.memory_space<vmem>>, vector<16xf32>,
        tpu.vector_store %arg8[%swap3A], %broadcast_in_dim3A_3 {strides = array<i32>} : memref<50176xf32, #tpu.memory_space<vmem>>, vector<16xf32>,
        %scan3A_86 = arith.constant 1 : i32
        %scan3A_87 = arith.addi %scan3A_82, %scan3A_86 : i32
        %mul3A_88 = arith.constant 16 : i32
        %mul3A_89 = arith.muli %scan3A_87, %mul3A_88 : i32
        %swap3A_90 = arith.index_cast %mul3A_89 : i32 to index
        %swap3A_91 = tpu.vector_load %arg8[%swap3A_90] {strides = array<i32>} : memref<50176xf32, #tpu.memory_space<vmem>>, vector<16xf32>,
        tpu.vector_store %arg8[%swap3A_90], %broadcast_in_dim3A_3 {strides = array<i32>} : memref<50176xf32, #tpu.memory_space<vmem>>, vector<16xf32>,
        %scan3A_92 = arith.constant 2 : i32
        %scan3A_93 = arith.addi %scan3A_82, %scan3A_92 : i32
        %mul3A_94 = arith.constant 16 : i32
        %mul3A_95 = arith.muli %scan3A_93, %mul3A_94 : i32
        %swap3A_96 = arith.index_cast %mul3A_95 : i32 to index
        %swap3A_97 = tpu.vector_load %arg8[%swap3A_96] {strides = array<i32>} : memref<50176xf32, #tpu.memory_space<vmem>>, vector<16xf32>,
        tpu.vector_store %arg8[%swap3A_96], %broadcast_in_dim3A_3 {strides = array<i32>} : memref<50176xf32, #tpu.memory_space<vmem>>, vector<16xf32>,
        %scan3A_98 = arith.constant 3 : i32
        %scan3A_99 = arith.addi %scan3A_82, %scan3A_98 : i32
        %mul3A_100 = arith.constant 16 : i32
        %mul3A_101 = arith.muli %scan3A_99, %mul3A_100 : i32
        %swap3A_102 = arith.index_cast %mul3A_101 : i32 to index
        %swap3A_103 = tpu.vector_load %arg8[%swap3A_102] {strides = array<i32>} : memref<50176xf32, #tpu.memory_space<vmem>>, vector<16xf32>,
        tpu.vector_store %arg8[%swap3A_102], %broadcast_in_dim3A_3 {strides = array<i32>} : memref<50176xf32, #tpu.memory_space<vmem>>, vector<16xf32>,
        %scan3A_104 = arith.constant 4 : i32
        %scan3A_105 = arith.addi %scan3A_82, %scan3A_104 : i32
        %mul3A_106 = arith.constant 16 : i32
        %mul3A_107 = arith.muli %scan3A_105, %mul3A_106 : i32
        %swap3A_108 = arith.index_cast %mul3A_107 : i32 to index
        %swap3A_109 = tpu.vector_load %arg8[%swap3A_108] {strides = array<i32>} : memref<50176xf32, #tpu.memory_space<vmem>>, vector<16xf32>,
        tpu.vector_store %arg8[%swap3A_108], %broadcast_in_dim3A_3 {strides = array<i32>} : memref<50176xf32, #tpu.memory_space<vmem>>, vector<16xf32>,
        %scan3A_110 = arith.constant 5 : i32
        %scan3A_111 = arith.addi %scan3A_82, %scan3A_110 : i32
        %mul3A_112 = arith.constant 16 : i32
        %mul3A_113 = arith.muli %scan3A_111, %mul3A_112 : i32
        %swap3A_114 = arith.index_cast %mul3A_113 : i32 to index
        %swap3A_115 = tpu.vector_load %arg8[%swap3A_114] {strides = array<i32>} : memref<50176xf32, #tpu.memory_space<vmem>>, vector<16xf32>,
        tpu.vector_store %arg8[%swap3A_114], %broadcast_in_dim3A_3 {strides = array<i32>} : memref<50176xf32, #tpu.memory_space<vmem>>, vector<16xf32>,
        %scan3A_116 = arith.constant 6 : i32
        %scan3A_117 = arith.addi %scan3A_82, %scan3A_116 : i32
        %mul3A_118 = arith.constant 16 : i32
        %mul3A_119 = arith.muli %scan3A_117, %mul3A_118 : i32
        %swap3A_120 = arith.index_cast %mul3A_119 : i32 to index
        %swap3A_121 = tpu.vector_load %arg8[%swap3A_120] {strides = array<i32>} : memref<50176xf32, #tpu.memory_space<vmem>>, vector<16xf32>,
        tpu.vector_store %arg8[%swap3A_120], %broadcast_in_dim3A_3 {strides = array<i32>} : memref<50176xf32, #tpu.memory_space<vmem>>, vector<16xf32>,
        %scan3A_122 = arith.constant 7 : i32
        %scan3A_123 = arith.addi %scan3A_82, %scan3A_122 : i32
        %mul3A_124 = arith.constant 16 : i32
        %mul3A_125 = arith.muli %scan3A_123, %mul3A_124 : i32
        %swap3A_126 = arith.index_cast %mul3A_125 : i32 to index
        %swap3A_127 = tpu.vector_load %arg8[%swap3A_126] {strides = array<i32>} : memref<50176xf32, #tpu.memory_space<vmem>>, vector<16xf32>,
        tpu.vector_store %arg8[%swap3A_126], %broadcast_in_dim3A_3 {strides = array<i32>} : memref<50176xf32, #tpu.memory_space<vmem>>, vector<16xf32>,
      }
      %scan3A_69 = arith.constant 3136 : i32
      %scan3A_70 = arith.constant 0 : i32
      %scan3A_71 = arith.constant 0 : i32
      %scan3A_72 = arith.constant 784 : i32
      %scan3A_73 = arith.addi %scan3A_71, %scan3A_72 : i32
      %scan3A_74 = arith.constant 1 : i32
      scf.for %scan3A_82 = %scan3A_71 to %scan3A_73 step %scan3A_74  : i32 {
        %mul3A_83 = arith.constant 16 : i32
        %mul3A_84 = arith.muli %scan3A_82, %mul3A_83 : i32
        %get3A = arith.index_cast %mul3A_84 : i32 to index
        %get3A_85 = tpu.vector_load %arg6[%get3A] {strides = array<i32>} : memref<12544xi32, #tpu.memory_space<vmem>>, vector<16xi32>,
        %mul3A_86 = arith.constant 16 : i32
        %mul3A_87 = arith.muli %scan3A_82, %mul3A_86 : i32
        %get3A_88 = arith.index_cast %mul3A_87 : i32 to index
        %get3A_89 = tpu.vector_load %arg5[%get3A_88] {strides = array<i32>} : memref<12544xf32, #tpu.memory_space<vmem>>, vector<16xf32>,
        %broadcast_in_dim3A_90 = vector.shape_cast %min3A_8 : vector<16xi32> to vector<16x1xi32>
        %gather3A = vector.shape_cast %broadcast_in_dim3A_90 : vector<16x1xi32> to vector<16xi32>
        %gather3A_91 = tpu.dynamic_gather %get3A_85[%gather3A] in [0] : vector<16xi32>, vector<16xi32> -> vector<16xi32>
        %ne3A = arith.cmpi ne, %get3A_85, %gather3A_91 : vector<16xi32>
        %or3A = arith.ori %ne3A, %eq3A_10 : vector<16xi1>
        tpu.vector_store_idx %arg8[%get3A_85], %get3A_89 masked %or3A : memref<50176xf32, #tpu.memory_space<vmem>>[vector<16xi32>], vector<16xf32>, vector<16xi1>
      }
      %scan3A_75 = arith.constant 784 : i32
      %dma_start3A_76 = arith.constant 0 : i32
      %dma_start3A_77 = tpu.memref_slice %arg4[%add3A_56, %dma_start3A_76] : memref<768x50176xf32, #tpu.memory_space<hbm>> -> memref<1x50176xf32, #tpu.memory_space<hbm>>
      %dma_start3A_78 = tpu.memref_squeeze %dma_start3A_77 : memref<1x50176xf32, #tpu.memory_space<hbm>> -> memref<50176xf32, #tpu.memory_space<hbm>>
      %dma_start3A_79 = arith.constant 0 : i32
      %dma_start3A_80 = tpu.memref_slice %arg4[%add3A_56, %dma_start3A_79] : memref<768x50176xf32, #tpu.memory_space<hbm>> -> memref<1x50176xf32, #tpu.memory_space<hbm>>
      %dma_start3A_81 = tpu.memref_squeeze %dma_start3A_80 : memref<1x50176xf32, #tpu.memory_space<hbm>> -> memref<50176xf32, #tpu.memory_space<hbm>>
      tpu.enqueue_dma source(%arg8 : memref<50176xf32, #tpu.memory_space<vmem>>) target(%dma_start3A_81 : memref<50176xf32, #tpu.memory_space<hbm>>) target_semaphore(%arg10 : memref<!tpu.dma_semaphore, #tpu.memory_space<semaphore_mem>>)
    }
    %scan3A_15 = arith.constant 12 : i32
    %dma_wait3A = arith.constant 0 : i32
    %dma_wait3A_16 = tpu.memref_slice %arg4[%mul3A_2, %dma_wait3A] : memref<768x50176xf32, #tpu.memory_space<hbm>> -> memref<1x50176xf32, #tpu.memory_space<hbm>>
    %dma_wait3A_17 = tpu.memref_squeeze %dma_wait3A_16 : memref<1x50176xf32, #tpu.memory_space<hbm>> -> memref<50176xf32, #tpu.memory_space<hbm>>
    %dma_wait3A_18 = arith.constant 0 : i32
    %dma_wait3A_19 = tpu.memref_slice %arg4[%mul3A_2, %dma_wait3A_18] : memref<768x50176xf32, #tpu.memory_space<hbm>> -> memref<1x50176xf32, #tpu.memory_space<hbm>>
    %dma_wait3A_20 = tpu.memref_squeeze %dma_wait3A_19 : memref<1x50176xf32, #tpu.memory_space<hbm>> -> memref<50176xf32, #tpu.memory_space<hbm>>
    tpu.wait_dma2 semaphore(%arg9 : memref<!tpu.dma_semaphore, #tpu.memory_space<semaphore_mem>>) src(%arg7 : memref<50176xf32, #tpu.memory_space<vmem>>) dst(%dma_wait3A_20 : memref<50176xf32, #tpu.memory_space<hbm>>)
    %dma_wait3A_21 = arith.constant 0 : i32
    %dma_wait3A_22 = tpu.memref_slice %arg4[%mul3A_2, %dma_wait3A_21] : memref<768x50176xf32, #tpu.memory_space<hbm>> -> memref<1x50176xf32, #tpu.memory_space<hbm>>
    %dma_wait3A_23 = tpu.memref_squeeze %dma_wait3A_22 : memref<1x50176xf32, #tpu.memory_space<hbm>> -> memref<50176xf32, #tpu.memory_space<hbm>>
    %dma_wait3A_24 = arith.constant 0 : i32
    %dma_wait3A_25 = tpu.memref_slice %arg4[%mul3A_2, %dma_wait3A_24] : memref<768x50176xf32, #tpu.memory_space<hbm>> -> memref<1x50176xf32, #tpu.memory_space<hbm>>
    %dma_wait3A_26 = tpu.memref_squeeze %dma_wait3A_25 : memref<1x50176xf32, #tpu.memory_space<hbm>> -> memref<50176xf32, #tpu.memory_space<hbm>>
    tpu.wait_dma2 semaphore(%arg10 : memref<!tpu.dma_semaphore, #tpu.memory_space<semaphore_mem>>) src(%arg8 : memref<50176xf32, #tpu.memory_space<vmem>>) dst(%dma_wait3A_26 : memref<50176xf32, #tpu.memory_space<hbm>>)
    return
  }
}

</mosaic_0001>

<sc_bundles>
// kernel: kernel.3.cloned.1.call-start
scs
__scs_entry_jumppad:
0x0: {  	(pc) =	sbr.rel $0x88, $3  }
0x1: {  	(tag) =	ssettag $0x0;
	lr =	simm.s32 $0x1  }
0x2: {  	[smem:$0x3F9F] =	sst lr;
	_ =	strace $0xD0000000  }
0x3: {  	_ = 	snop  }
0x4: {  	_ = 	snop  }
0x5: {  	_ = 	snop  }
0x6: {  	_ = 	snop  }
0x7: {  	_ = 	snop  }
__scs_overlays_trampoline_lowered:
0x8: {  	[smem:$0x3FAE] =	sst s0  }
0x9: {  	[smem:$0x3FAF] =	sst s1  }
0xa: {  	[smem:$0x3FB0] =	sst s2  }
0xb: {  	[smem:$0x3FB1] =	sst s3  }
0xc: {  	[smem:$0x3FB2] =	sst s4  }
0xd: {  	[smem:$0x3FB3] =	sst s5  }
0xe: {  	[smem:$0x3FB4] =	sst s6  }
0xf: {  	[smem:$0x3FB5] =	sst s7  }
0x10: {  	[smem:$0x3FB6] =	sst s8  }
0x11: {  	[smem:$0x3FB7] =	sst s9;
	s0 =	simm.s32 @!p0 $0x0  }
0x12: {  	s1 =	sld [smem:$0x3F9D];
	s0 =	simm.s32 @p0 $0x1  }
0x13: {  	[smem:$0x3FB8] =	sst s0;
	s0 =	simm.s32 @!p1 $0x0  }
0x14: {  	s2 =	sld [smem:$0x3F9C];
	s0 =	simm.s32 @p1 $0x1  }
0x15: {  	[smem:$0x3FB9] =	sst s0;
	s0 =	simm.s32 @!p2 $0x0  }
0x16: {  	s3 =	sld [smem:$0x3FDB];
	s0 =	simm.s32 @p2 $0x1  }
0x17: {  	s4 =	simm.s32 $0x1BF5;
	[smem:$0x3FBB] =	sst s0  }
0x18: {  	s0 =	sld [smem:$0x3F9E];
	_ =	swait.ge [sflag:s4], $0x0  }
0x19: {  	s7 =	sld [smem:$0x3F9F]  }
0x1a: {  	s8 =	sadd.s32 $0xFFFFE003, lr  }
0x1b: {  	s9 =	sadd.s32 $0xFFFFFEF7, lr;
	s5 =	simm.s32 $0xFFFFFFFF;
	p2 =	slt.u32 s8, $0xFFFFF086  }
0x1c: {  	p1 =	slt.u32 s9, $0xF7A;
	s5 =	simm.s32 @!p2 $0x0  }
0x1d: {  	s5 =	simm.s32 @p1 $0x1;
	p0 =	seq.s32 s7, s2  }
0x1e: {  	s7 =	smul.u32 @!p0 $0xF7A, s2;
	p2 =	seq.s32 @!p0 s5, $0x0  }
0x1f: {  	s9 =	smul.u32 $0xF7A, s1;
	s8 =	simm.s32 @!p0 $0x1BF5;
	p2 =	por !p2, p0  }
0x20: {  	[sflag:s8] =	ssyncset.s32 @!p0 $0xFFFFF086;
	s6 =	sadd.s32 @!p0 s3, s7;
	s7 =	simm.s32 @!p0 $0x108  }
0x21: {  	s3 =	sadd.s32 s3, s9;
	s6 =	sadd.s32 @!p0 $0x88, s6;
	s7 =	simm.s32 @p2 $0x1082  }
0x22: {  	[simem:s7], [sflag:s8] =	dma.local @!p0 [hbm:s6], $0xF7A  }
0x23: {  	s9 =	sor.u32 $0xD0000000, s2;
	s6 =	simm.s32 $0x108;
	_ =	swait.ge @!p0 [sflag:s8], $0x0  }
0x24: {  	s3 =	sadd.s32 $0x88, s3;
	s6 =	simm.s32 @!p1 $0x1082;
	[sflag:s4] =	ssyncset.s32 $0xFFFFF086  }
0x25: {  	[simem:s6], [sflag:s4] =	dma.local [hbm:s3], $0xF7A  }
0x26: {  	[smem:$0x3F9F] =	sst s1;
	(tag) =	ssettag s2;
	_ =	strace s9  }
0x27: {  	s1 =	sld [smem:$0x3FAF]  }
0x28: {  	s2 =	sld [smem:$0x3FB0]  }
0x29: {  	s4 =	sld [smem:$0x3FB2]  }
0x2a: {  	p0 =	seq.s32 s5, $0x0;
	s5 =	sld [smem:$0x3FB3]  }
0x2b: {  	s6 =	sld [smem:$0x3FB4]  }
0x2c: {  	s7 =	sld [smem:$0x3FB5]  }
0x2d: {  	s3 =	simm.s32 $0x108;
	s8 =	sld [smem:$0x3FB6]  }
0x2e: {  	s3 =	simm.s32 @!p0 $0x1082;
	s9 =	sld [smem:$0x3FB7]  }
0x2f: {  	lr =	sadd.s32 s0, s3;
	s0 =	sld [smem:$0x3FAE]  }
0x30: {  	s3 =	sld [smem:$0x3FB1]  }
0x31: {  	[smem:$0x3FBA] =	sst s10  }
0x32: {  	s10 =	sld [smem:$0x3FB8];
	_ =	sdelay $0x3  }
0x33: {  	p0 =	seq.s32 s10, $0x1;
	s10 =	sld [smem:$0x3FBA];
	_ =	sdelay $0x3  }
0x34: {  	[smem:$0x3FBA] =	sst s10  }
0x35: {  	s10 =	sld [smem:$0x3FB9];
	_ =	sdelay $0x3  }
0x36: {  	p1 =	seq.s32 s10, $0x1;
	s10 =	sld [smem:$0x3FBA];
	_ =	sdelay $0x3  }
0x37: {  	[smem:$0x3FBA] =	sst s10  }
0x38: {  	s10 =	sld [smem:$0x3FBB]  }
0x39: {  	_ = 	snop;
	(pc) =	sbr.ind lr, $3  }
0x3a: {  	_ = 	snop  }
0x3b: {  	_ = 	snop  }
0x3c: {  	p2 =	seq.s32 s10, $0x1;
	s10 =	sld [smem:$0x3FBA]  }
0x3d: {  	_ =	shalt  }
0x3e: {  	_ =	shalt  }
0x3f: {  	_ =	shalt  }
0x40: {  	_ =	shalt  }
0x41: {  	_ =	shalt  }
0x42: {  	_ =	shalt  }
0x43: {  	_ =	shalt  }
0x44: {  	_ =	shalt  }
0x45: {  	_ =	shalt  }
0x46: {  	_ =	shalt  }
0x47: {  	_ =	shalt  }
0x48: {  	_ =	shalt  }
0x49: {  	_ =	shalt  }
0x4a: {  	_ =	shalt  }
0x4b: {  	_ =	shalt  }
0x4c: {  	_ =	shalt  }
0x4d: {  	_ =	shalt  }
0x4e: {  	_ =	shalt  }
0x4f: {  	_ =	shalt  }
0x50: {  	_ =	shalt  }
0x51: {  	_ =	shalt  }
0x52: {  	_ =	shalt  }
0x53: {  	_ =	shalt  }
0x54: {  	_ =	shalt  }
0x55: {  	_ =	shalt  }
0x56: {  	_ =	shalt  }
0x57: {  	_ =	shalt  }
0x58: {  	_ =	shalt  }
0x59: {  	_ =	shalt  }
0x5a: {  	_ =	shalt  }
0x5b: {  	_ =	shalt  }
0x5c: {  	_ =	shalt  }
0x5d: {  	_ =	shalt  }
0x5e: {  	_ =	shalt  }
0x5f: {  	_ =	shalt  }
0x60: {  	_ =	shalt  }
0x61: {  	_ =	shalt  }
0x62: {  	_ =	shalt  }
0x63: {  	_ =	shalt  }
0x64: {  	_ =	shalt  }
0x65: {  	_ =	shalt  }
0x66: {  	_ =	shalt  }
0x67: {  	_ =	shalt  }
0x68: {  	_ =	shalt  }
0x69: {  	_ =	shalt  }
0x6a: {  	_ =	shalt  }
0x6b: {  	_ =	shalt  }
0x6c: {  	_ =	shalt  }
0x6d: {  	_ =	shalt  }
0x6e: {  	_ =	shalt  }
0x6f: {  	_ =	shalt  }
0x70: {  	_ =	shalt  }
0x71: {  	_ =	shalt  }
0x72: {  	_ =	shalt  }
0x73: {  	_ =	shalt  }
0x74: {  	_ =	shalt  }
0x75: {  	_ =	shalt  }
0x76: {  	_ =	shalt  }
0x77: {  	_ =	shalt  }
0x78: {  	_ =	shalt  }
0x79: {  	_ =	shalt  }
0x7a: {  	_ =	shalt  }
0x7b: {  	_ =	shalt  }
0x7c: {  	_ =	shalt  }
0x7d: {  	_ =	shalt  }
0x7e: {  	_ =	shalt  }
0x7f: {  	_ =	shalt  }
0x80: {  	_ =	shalt  }
0x81: {  	_ =	shalt  }
0x82: {  	_ =	shalt  }
0x83: {  	_ =	shalt  }
0x84: {  	_ =	shalt  }
0x85: {  	_ =	shalt  }
0x86: {  	_ =	shalt  }
0x87: {  	_ =	shalt  }
.Lfunc_end0:
.L_simem_size_0:
called_computation_lowered:
.L_overlay_start_0:
0x88: {  	s2 =	sld [smem:$0x3FD9]  }
0x89: {  	s3 =	sld [smem:$0x3FFE];
	_ =	sdelay $0x1  }
0x8a: {  	s1 =	srdreg.scid  }
0x8b: {  	s0 =	sand.u32 $0x1, s1  }
0x8c: {  	s17 =	sshll.u32 s0, $0xA;
	s2 =	sadd.s32 s3, s2  }
0x8d: {  	s2 =	sadd.s32 s2, s17  }
0x8e: {  	[smem:$0x3FC6] =	sst s2  }
0x8f: {  	_ = 	snop  }
0x90: {  	s2 =	sld [smem:$0x3FD0];
	(tm) =	ssettm $0x1  }
0x91: {  	s18 =	sld [smem:$0x3FFB];
	_ =	sdelay $0x3  }
0x92: {  	_ =	strace s18  }
0x93: {  	s3 =	sld [smem:$0x3FFC];
	_ =	sdelay $0x3  }
0x94: {  	_ =	strace s3  }
0x95: {  	s3 =	sld [smem:$0x3FFD];
	_ =	sdelay $0x3  }
0x96: {  	_ =	strace s3  }
0x97: {  	_ =	strace $0x8FFFFFFF  }
0x98: {  	s19 =	sld [smem:$0x3FDB];
	_ =	sdelay $0x1  }
0x99: {  	s4 =	simm.s32 $_scs_section_size  }
0x9a: {  	s5 =	simm.s32 $_size__tile_overlayer_lowered;
	s6 =	simm.s32 $_tile_overlayer_lowered  }
0x9b: {  	s22 =	simm.s32 $0x1BFF;
	s21 =	sshll.u32 s6, $0x1;
	s3 =	sadd.s32 s4, s19  }
0x9c: {  	s7 =	simm.s32 $0x0;
	s20 =	sshll.u32 s5, $0x1;
	s5 =	sadd.s32 s21, s3  }
0x9d: {  	[timem:s7], [sflag:s22] =	dma.local [hbm:s5], s20  }
0x9e: {  	_ =	swait.ge [sflag:s22], s20  }
0x9f: {  	s4 =	ssub.s32 $0x0, s20;
	[sflag:s22] =	ssyncset.done $0x0  }
0xa0: {  	[sflag:s22] =	ssyncadd.s32 s4;
	_ =	sdelay $0x1  }
0xa1: {  	s23 =	simm.s32 $0x1B8B  }
0xa2: {  	_ =	swait.ge [sflag:s23], $0x1  }
0xa3: {  	[sflag:s23] =	ssyncset.done $0x0  }
0xa4: {  	s25 =	simm.s32 $0x1B8E;
	s24 =	sld [smem:$0x3FFE];
	[sflag:s23] =	ssyncadd.s32 $0xFFFFFFFF  }
0xa5: {  	s26 =	simm.s32 $execute0_lowered;
	[smem:$0x3FD2] =	sst s25  }
0xa6: {  	s5 =	sshll.u32 s26, $0x1;
	_ =	strace $0x80000046;
	[dreg:$0x1] =	wrdreg $0xFFFFFFFF  }
0xa7: {  	s28 =	simm.s32 $_size_execute0_lowered;
	s3 =	sadd.s32 s3, s5;
	[dreg:$0x0] =	wrdreg $0x0  }
0xa8: {  	s5 =	sshll.u32 s28, $0x1;
	[dreg:$0x2] =	wrdreg s3  }
0xa9: {  	[dreg:$0x3] =	wrdreg s5  }
0xaa: {  	[dreg:$0x4] =	wrdreg $0xC0  }
0xab: {  	_ =	task [dreg:s7], $0x5FFFF  }
0xac: {  	[dreg:$0x1] =	wrdreg $0xFFFFFFFF  }
0xad: {  	[dreg:$0x0] =	wrdreg $0x60  }
0xae: {  	[dreg:$0x2] =	wrdreg s2  }
0xaf: {  	[dreg:$0x3] =	wrdreg s24  }
0xb0: {  	[dreg:$0x4] =	wrdreg $0x9  }
0xb1: {  	_ =	task.clear_ibuf [dreg:s7], $0x5FFFF;
	_ =	strace $0x90000046  }
0xb2: {  	s29 =	simm.s32 $0x9;
	_ =	strace $0x80000048  }
0xb3: {  	_ =	swait.ge [sflag:s29], $0x1  }
0xb4: {  	[sflag:s29] =	ssyncadd.s32 $0xFFFFFFFF  }
0xb5: {  	_ =	strace $0x90000048  }
0xb6: {  	_ =	sfence  }
0xb7: {  	s30 =	sld [smem:$0x0];
	_ =	sdelay $0x2  }
0xb8: {  	s31 =	sshll.u32 s1, $0xD;
	s1 =	sshrl.u32 s1, $0x2  }
0xb9: {  	s3 =	sand.u32 $0x4000, s31;
	s1 =	sadd.s32 s1, s30  }
0xba: {  	s0 =	sor.u32 s3, s0;
	s1 =	sshll.u32 s1, $0x11  }
0xbb: {  	s0 =	sor.u32 s1, s0  }
0xbc: {  	s0 =	sadd.s32 $0x8F2B, s0  }
0xbd: {  	[sflag:s0] =	ssyncadd.remote.s32 $0x1  }
0xbe: {  	_ =	sfence.sel $0xFFFF  }
0xbf: {  	[dreg:$0x0] =	wrdreg $0xFFFFFFFF;
	(pc) =	sbr.abs _section_cstart, $3  }
0xc0: {  	[dreg:$0x1] =	wrdreg $0xFFFFFFFF  }
0xc1: {  	_ =	task.clear_ibuf [dreg:s7], $0x2FFFF;
	_ =	strace $0x9FFFFFFF  }
0xc2: {  	(tm) =	ssettm $0x7FFFFFFF  }
0xc3: {  	_ =	shalt  }
tec
execute0_lowered:
.L_overlay_start_1:
0x0: {  	(tag) =	ssettag $0x1  }
0x1: {  	s1 =	rddreg [dreg:$0x0]  }
0x2: {  	s2 =	rddreg [dreg:$0x1]  }
0x3: {  	s3 =	srdreg.scid;
	s0 =	rddreg [dreg:$0x2];
	s4 =	simm.s32 $0x0  }
0x4: {  	s9 =	simm.s32 $0x400;
	s10 =	simm.s32 $0x3;
	s11 =	simm.s32 $0x3100  }
0x5: {  	v0 =	vimm.s32 $0xFFEDCBA9;
	v1 =	vimm.s32 $0x87654321;
	s12 =	simm.s32 $0x6200;
	s13 =	simm.s32 $0x12600;
	s14 =	simm.s32 $0x1  }
0x6: {  	s15 =	simm.s32 $0x2;
	s16 =	simm.s32 $0x0;
	s5 =	sand.u32 $0x1, s3;
	v0 =	vunpack.c.l.s4.s8 v0;
	v1 =	vunpack.c.l.s4.s8 v1  }
0x7: {  	s3 =	stileid.u32;
	[smem:$0x7FF] =	sst s4;
	s6 =	ssub.s32 $0x2, s5  }
0x8: {  	s8 =	sshll.u32 s3, $0x1;
	_ =	strace $0x80000047;
	s7 =	sshrl.u32 s6, $0x1;
	v2 =	vunpack.c.0.s8.s32 v0;
	v1 =	vunpack.c.0.s8.s32 v1  }
0x9: {  	s31 =	sor.u32 s5, s8;
	s5 =	sadd.s32 $0x126000, s2;
	s7 =	ssub.s32 s6, s7  }
0xa: {  	vm0 =	vcmask $0x3F3C;
	s8 =	simm.s32 $0x80;
	v0 =	vimm.f32 $0.0e+00;
	s6 =	smul.u32 $0x18, s31;
	s7 =	smax.u32 s7, $0x1;
	v1 =	vcombine.low v1, v2  }
.LBB2_1:
0xb: {  	s17 =	simm.s32 $0x0  }
.LBB2_2:
0xc: {  	s18 =	sshll.u32 s17, $0x1  }
0xd: {  	s18 =	sadd.s32 s6, s18  }
0xe: {  	s20 =	sshrl.u32 s18, $0x3  }
0xf: {  	s19 =	sshll.u32 s17, $0x8;
	s18 =	smul.u32 $0x18800, s20  }
0x10: {  	s19 =	sand.u32 $0x300, s19  }
0x11: {  	s21 =	sor.u32 s19, s18  }
0x12: {  	s21 =	sshrl.u32 s21, $0x3  }
0x13: {  	s22 =	sadd.s32 s2, s21  }
0x14: {  	[tilespmem:s4], [sflag:$0x3] =	stream.strided.gather [hbm4b:s22+s8], $0x3100, s9, s8, $0x38;
	[tilespmem:$0x1EA00] =	vst v63  }
0x15: {  	_ =	swait.ge [sflag:s10], $0x3100  }
0x16: {  	[sflag:s10] =	ssyncset.done $0x0  }
0x17: {  	s21 =	sadd.s32 s1, s21;
	[sflag:s10] =	ssyncadd.s32 $0xFFFFCF00  }
0x18: {  	[tilespmem:s11], [sflag:$0x3] =	stream.strided.gather [hbm4b:s21+s8], $0x3100, s9, s8, $0x38;
	[tilespmem:$0x1EA00] =	vst v63  }
0x19: {  	_ =	swait.ge [sflag:s10], $0x3100  }
0x1a: {  	p0 =	seq.s32 s17, $0x0;
	[sflag:s10] =	ssyncset.done $0x0  }
0x1b: {  	s21 =	simm.s32 @!p0 $0x1;
	[sflag:s10] =	ssyncadd.s32 $0xFFFFCF00  }
0x1c: {  	_ =	swait.ge @!p0 [sflag:s21], $0xC400  }
0x1d: {  	[sflag:s21] =	ssyncset.done @!p0 $0x0  }
0x1e: {  	[sflag:s21] =	ssyncadd.s32 @!p0 $0xFFFF3C00;
	s21 =	simm.s32 $0x6240  }
0x1f: {  	[tilespmem:s21+$0xFFFFFFC0] =	vst v0  }
0x20: {  	[tilespmem:s21+$0x30] =	vst v0  }
0x21: {  	[tilespmem:s21+$0x20] =	vst v0  }
0x22: {  	[tilespmem:s21+$0x10] =	vst v0  }
0x23: {  	[tilespmem:s21+$0x0] =	vst v0  }
0x24: {  	[tilespmem:s21+$0xFFFFFFF0] =	vst v0  }
0x25: {  	s22 =	simm.s32 $0x0;
	[tilespmem:s21+$0xFFFFFFE0] =	vst v0  }
.LBB2_3:
0x26: {  	s22 =	sadd.s32 $0x8, s22;
	[tilespmem:s21+$0xFFFFFFD0] =	vst v0;
	s21 =	sadd.s32 $0x80, s21  }
0x27: {  	[tilespmem:s21+$0xFFFFFFC0] =	vst v0;
	p1 =	slt.u32 s22, $0xC38  }
0x28: {  	[tilespmem:s21+$0x30] =	vst v0  }
.Ltmp0:
0x29: {  	[tilespmem:s21+$0x20] =	vst v0;
	(pc) =	sbr.rel @p1 .LBB2_3-.Ltmp0, $4  }
0x2a: {  	[tilespmem:s21+$0x10] =	vst v0  }
0x2b: {  	[tilespmem:s21+$0x0] =	vst v0  }
0x2c: {  	[tilespmem:s21+$0xFFFFFFF0] =	vst v0  }
0x2d: {  	[tilespmem:s21+$0xFFFFFFE0] =	vst v0  }
0x2e: {  	[tilespmem:s21+$0xFFFFFFD0] =	vst v0;
	s21 =	simm.s32 $0x0;
	s22 =	simm.s32 $0x40  }
.LBB2_5:
0x2f: {  	p1 =	sne.s32 s22, $0xC3C0;
	v2 =	vld [tilespmem:s21+$0x3100];
	_ =	sdelay $0x4  }
0x30: {  	v3 =	vperm.xlane v2, v1;
	_ =	sdelay $0x1  }
0x31: {  	vm1 =	vne.s32 v2, v3  }
0x32: {  	vm1 =	vmor vm1, vm0  }
0x33: {  	v3 =	vld [tilespmem:s21+$0x0]  }
.Ltmp1:
0x34: {  	(pc) =	sbr.rel @p1 .LBB2_5-.Ltmp1, $2  }
0x35: {  	_ =	sdelay $0x2  }
0x36: {  	s21 =	sshra.s32 s22, $0x2;
	s22 =	sadd.s32 $0x40, s22;
	[tilespmem:v2+s12+$0x0] =	vst.idx.msk vm1, v3  }
0x37: {  	v2 =	vld [tilespmem:s21+$0x3100];
	_ =	sdelay $0x4  }
0x38: {  	v3 =	vperm.xlane v2, v1;
	_ =	sdelay $0x1  }
0x39: {  	vm1 =	vne.s32 v2, v3  }
0x3a: {  	vm1 =	vmor vm1, vm0  }
0x3b: {  	v3 =	vld [tilespmem:s21+$0x0]  }
0x3c: {  	s20 =	smul.u32 $0x62000, s20;
	_ =	sdelay $0x1  }
0x3d: {  	s30 =	sor.u32 s19, s20;
	s19 =	sor.u32 $0x80, s19  }
0x3e: {  	s18 =	sor.u32 s19, s18;
	s21 =	sshrl.u32 s30, $0x3  }
0x3f: {  	s18 =	sshrl.u32 s18, $0x3;
	s21 =	sadd.s32 s5, s21;
	[tilespmem:v2+s12+$0x0] =	vst.idx.msk vm1, v3  }
0x40: {  	[hbm4b:s21+s8] =	stream.strided.scatter [tilespmem:s12], [sflag:$0x1], $0xC400, s9, s8, $0x38;
	[tilespmem:$0x1EA00] =	vst v63  }
0x41: {  	s31 =	sadd.s32 s2, s18  }
0x42: {  	[tilespmem:s4], [sflag:$0x3] =	stream.strided.gather [hbm4b:s31+s8], $0x3100, s9, s8, $0x38;
	[tilespmem:$0x1EA00] =	vst v63  }
0x43: {  	_ =	swait.ge [sflag:s10], $0x3100  }
0x44: {  	[sflag:s10] =	ssyncset.done $0x0  }
0x45: {  	s18 =	sadd.s32 s1, s18;
	[sflag:s10] =	ssyncadd.s32 $0xFFFFCF00  }
0x46: {  	[tilespmem:s11], [sflag:$0x3] =	stream.strided.gather [hbm4b:s18+s8], $0x3100, s9, s8, $0x38;
	[tilespmem:$0x1EA00] =	vst v63  }
0x47: {  	_ =	swait.ge [sflag:s10], $0x3100  }
0x48: {  	[sflag:s10] =	ssyncset.done $0x0  }
0x49: {  	s18 =	simm.s32 @!p0 $0x2;
	[sflag:s10] =	ssyncadd.s32 $0xFFFFCF00  }
0x4a: {  	_ =	swait.ge @!p0 [sflag:s18], $0xC400  }
0x4b: {  	[sflag:s18] =	ssyncset.done @!p0 $0x0  }
0x4c: {  	[sflag:s18] =	ssyncadd.s32 @!p0 $0xFFFF3C00;
	s18 =	simm.s32 $0x12640  }
0x4d: {  	[tilespmem:s18+$0xFFFFFFC0] =	vst v0  }
0x4e: {  	[tilespmem:s18+$0x30] =	vst v0  }
0x4f: {  	[tilespmem:s18+$0x20] =	vst v0  }
0x50: {  	[tilespmem:s18+$0x10] =	vst v0  }
0x51: {  	[tilespmem:s18+$0x0] =	vst v0  }
0x52: {  	[tilespmem:s18+$0xFFFFFFF0] =	vst v0  }
0x53: {  	s21 =	simm.s32 $0x0;
	[tilespmem:s18+$0xFFFFFFE0] =	vst v0  }
.LBB2_7:
0x54: {  	s21 =	sadd.s32 $0x8, s21;
	[tilespmem:s18+$0xFFFFFFD0] =	vst v0;
	s18 =	sadd.s32 $0x80, s18  }
0x55: {  	[tilespmem:s18+$0xFFFFFFC0] =	vst v0;
	p0 =	slt.u32 s21, $0xC38  }
0x56: {  	[tilespmem:s18+$0x30] =	vst v0  }
.Ltmp2:
0x57: {  	[tilespmem:s18+$0x20] =	vst v0;
	(pc) =	sbr.rel @p0 .LBB2_7-.Ltmp2, $4  }
0x58: {  	[tilespmem:s18+$0x10] =	vst v0  }
0x59: {  	[tilespmem:s18+$0x0] =	vst v0  }
0x5a: {  	[tilespmem:s18+$0xFFFFFFF0] =	vst v0  }
0x5b: {  	[tilespmem:s18+$0xFFFFFFE0] =	vst v0  }
0x5c: {  	[tilespmem:s18+$0xFFFFFFD0] =	vst v0;
	s18 =	simm.s32 $0x0;
	s21 =	simm.s32 $0x40  }
.LBB2_9:
0x5d: {  	p0 =	sne.s32 s21, $0xC3C0;
	v2 =	vld [tilespmem:s18+$0x3100];
	_ =	sdelay $0x4  }
0x5e: {  	v3 =	vperm.xlane v2, v1;
	_ =	sdelay $0x1  }
0x5f: {  	vm1 =	vne.s32 v2, v3  }
0x60: {  	vm1 =	vmor vm1, vm0  }
0x61: {  	v3 =	vld [tilespmem:s18+$0x0]  }
.Ltmp3:
0x62: {  	(pc) =	sbr.rel @p0 .LBB2_9-.Ltmp3, $2  }
0x63: {  	_ =	sdelay $0x2  }
0x64: {  	s18 =	sshra.s32 s21, $0x2;
	s21 =	sadd.s32 $0x40, s21;
	[tilespmem:v2+s13+$0x0] =	vst.idx.msk vm1, v3  }
0x65: {  	v2 =	vld [tilespmem:s18+$0x3100];
	_ =	sdelay $0x4  }
0x66: {  	v3 =	vperm.xlane v2, v1;
	_ =	sdelay $0x1  }
0x67: {  	vm1 =	vne.s32 v2, v3  }
0x68: {  	vm1 =	vmor vm1, vm0  }
0x69: {  	s17 =	sadd.s32 $0x1, s17;
	v3 =	vld [tilespmem:s18+$0x0]  }
0x6a: {  	p0 =	sne.s32 s17, $0xC  }
.Ltmp4:
0x6b: {  	_ = 	snop;
	(pc) =	sbr.rel @p0 .LBB2_2-.Ltmp4, $4  }
0x6c: {  	s31 =	sor.u32 s19, s20  }
0x6d: {  	s18 =	sshrl.u32 s31, $0x3  }
0x6e: {  	s18 =	sadd.s32 s5, s18;
	[tilespmem:v2+s13+$0x0] =	vst.idx.msk vm1, v3  }
0x6f: {  	[hbm4b:s18+s8] =	stream.strided.scatter [tilespmem:s13], [sflag:$0x2], $0xC400, s9, s8, $0x38;
	[tilespmem:$0x1EA00] =	vst v63  }
0x70: {  	s16 =	sadd.s32 $0x1, s16  }
0x71: {  	_ =	swait.ge [sflag:s14], $0xC400;
	p0 =	sne.s32 s16, s7  }
.Ltmp5:
0x72: {  	[sflag:s14] =	ssyncset.done $0x0;
	(pc) =	sbr.rel @p0 .LBB2_1-.Ltmp5, $4  }
0x73: {  	[sflag:s14] =	ssyncadd.s32 $0xFFFF3C00  }
0x74: {  	_ =	swait.ge [sflag:s15], $0xC400  }
0x75: {  	[sflag:s15] =	ssyncset.done $0x0  }
0x76: {  	[sflag:s15] =	ssyncadd.s32 $0xFFFF3C00  }
0x77: {  	_ =	sfence.sel $0x180000  }
0x78: {  	[bflag:$0x0] =	sbarrier.arrive $0xFFFF  }
0x79: {  	p0 =	sne.s32 s3, $0x0;
	_ =	strace $0x90000047  }
0x7a: {  	s0 =	sadd.s32 @!p0 $0x100000, s0;
	[bflag:$0x2] =	sbarrier.arrive $0xFFFF  }
0x7b: {  	[sflag:s0] =	ssyncadd.tile.s32 @!p0 $0x1;
	_ =	shalt  }
.Lfunc_end2:
_tile_overlayer_lowered:
.L_overlay_start_2:
0x7c: {  	(tag) =	ssettag $0x2  }
0x7d: {  	s0 =	rddreg [dreg:$0x0];
	s2 =	stileid.u32  }
0x7e: {  	s1 =	rddreg [dreg:$0x1];
	p0 =	sne.s32 s2, $0x0  }
0x7f: {  	s3 =	rddreg [dreg:$0x2];
	[bflag:$0x3] =	sbarrier.arrive $0xFFFF;
	s2 =	simm.s32 @!p0 $0x1C03  }
0x80: {  	[timem:s3], [sflag:s2] =	dma.local @!p0 [hbm:s0], s1  }
0x81: {  	s0 =	simm.s32 @!p0 $0x3  }
0x82: {  	_ =	swait.ge @!p0 [sflag:s0], s1  }
0x83: {  	s1 =	ssub.s32 @!p0 $0x0, s1;
	[sflag:s0] =	ssyncset.done @!p0 $0x0  }
0x84: {  	[sflag:s0] =	ssyncadd.s32 @!p0 s1  }
0x85: {  	[bflag:$0x3] =	sbarrier.arrive $0xFFFF  }
0x86: {  	_ =	shalt  }

</sc_bundles>
